<compile_context>
chip_gen: v7x
topology: tpu7x:2x2x1
jax: 0.10.2.dev20260603
libtpu: 0.0.44.dev20260713+nightly
codegen_flags: <defaults>
</compile_context>

<pallas_src>
import functools

import jax
import jax.numpy as jnp
from jax import lax
from jax.experimental import pallas as pl
from jax.experimental.pallas import tpu as pltpu
from jax.experimental.pallas import tpu_sc as plsc

_B, _S, _D = 4, 2048, 2048
_MAXLEN = 512
_NK, _KB = 8, 256
_PB = 64
_NPB = _MAXLEN // _PB
_NG = _NK

_NWORK = 32
_RW = (_B * _MAXLEN) // _NWORK



def _val_kernel(pinfo, x_ref, wa_ref, wb_ref, emb_ref, b_ref, out_ref,
                mean_ref, acc_ref):
    g = pl.program_id(0)

    @pl.when(g == 0)
    def _():
        acc_ref[...] = jnp.broadcast_to(b_ref[...][None, :], acc_ref.shape)

    ms = jnp.sum(x_ref[...], axis=1) * (1.0 / _S)
    mean_ref[:, pl.ds(g * _KB, _KB)] = ms
    ev = emb_ref[0, :, :]
    acc_ref[...] += jax.lax.dot_general(
        ms, wa_ref[...], (((1,), (1,)), ((), ())),
        preferred_element_type=jnp.float32)
    acc_ref[...] += jax.lax.dot_general(
        ev, wb_ref[...], (((1,), (1,)), ((), ())),
        preferred_element_type=jnp.float32)

    @pl.when(g == _NG - 1)
    def _():
        gate = jax.nn.sigmoid(acc_ref[...])
        out_ref[...] = gate * mean_ref[...]


_VAL_GRID = pltpu.PrefetchScalarGridSpec(
    num_scalar_prefetch=1,
    grid=(_NG,),
    in_specs=[
        pl.BlockSpec((_B, _S, _KB), lambda g, p: (0, 0, g)),
        pl.BlockSpec((_D, _KB), lambda g, p: (0, g)),
        pl.BlockSpec((_D, _KB), lambda g, p: (0, _NK + g)),
        pl.BlockSpec((1, 1, _KB), lambda g, p: (p[0], 0, g)),
        pl.BlockSpec((_D,), lambda g, p: (0,)),
    ],
    out_specs=pl.BlockSpec((_B, _D), lambda g, p: (0, 0)),
    scratch_shapes=[pltpu.VMEM((_B, _D), jnp.float32),
                    pltpu.VMEM((_B, _D), jnp.float32)],
)



_SC_MESH = plsc.VectorSubcoreMesh(core_axis_name="c", subcore_axis_name="s")


@functools.partial(
    pl.kernel, mesh=_SC_MESH,
    out_type=jax.ShapeDtypeStruct((_B * _MAXLEN, _D), jnp.float32))
def _sc_zero(zslab_hbm, out_hbm):
    w = lax.axis_index("s") * 2 + lax.axis_index("c")
    pltpu.sync_copy(zslab_hbm, out_hbm.at[pl.ds(w * _RW, _RW)])



def _combine_kernel(pinfo, bank_ref, val_ref, out_ref):
    pos = pinfo[0]
    out_ref[...] = jnp.zeros_like(out_ref)
    out_ref[:, pl.ds(pos % _PB, 1), :] = val_ref[...][:, None, :]


_COMBINE_GRID = pltpu.PrefetchScalarGridSpec(
    num_scalar_prefetch=1,
    grid=(1,),
    in_specs=[
        pl.BlockSpec(memory_space=pl.ANY),
        pl.BlockSpec((_B, _D), lambda g, p: (0, 0)),
    ],
    out_specs=pl.BlockSpec((_B, _PB, _D), lambda g, p: (0, p[0] // _PB, 0)),
)


@jax.jit
def _run(current_state, emb_table, W, b, pos):
    pinfo = jnp.reshape(pos, (1,))
    val = pl.pallas_call(
        _val_kernel,
        grid_spec=_VAL_GRID,
        out_shape=jax.ShapeDtypeStruct((_B, _D), jnp.float32),
        compiler_params=pltpu.CompilerParams(
            dimension_semantics=("arbitrary",)),
    )(pinfo, current_state, W, W, emb_table.reshape(_MAXLEN, 1, _D), b)

    zslab = jnp.zeros((_RW, _D), jnp.float32)
    bank = _sc_zero(zslab).reshape(_B, _MAXLEN, _D)

    return pl.pallas_call(
        _combine_kernel,
        grid_spec=_COMBINE_GRID,
        out_shape=jax.ShapeDtypeStruct((_B, _MAXLEN, _D), jnp.float32),
        input_output_aliases={1: 0},
        compiler_params=pltpu.CompilerParams(
            dimension_semantics=("arbitrary",)),
    )(pinfo, bank, val)


def kernel(current_state, emb_table, W, b, step):
    pos = jnp.asarray(step, jnp.int32) % _MAXLEN
    return _run(current_state, emb_table, W, b, pos)

# --- scband reference (transcript-rebuilt; emitter-appended) ---
"""Pipeline reference for scband-scratchpad-module-25039659335882 (READ-ONLY COPY).

The authoritative reference and input builder live on the scoring server;
editing this copy changes nothing except your own understanding.
"""

import jax, jax.numpy as jnp
import numpy as np

B, S, D = 4, 2048, 2048
MAX_LEN = 512

def setup_inputs(seed: int = 0) -> dict:
    key = jax.random.key(seed)
    k1, k2, k3 = jax.random.split(key, 3)
    current_state = jax.random.normal(k1, (B, S, D), dtype=jnp.float32)
    emb_table = jax.random.normal(k2, (MAX_LEN, D), dtype=jnp.float32) * 0.02
    W = jax.random.normal(k3, (D, 2 * D), dtype=jnp.float32) * (1.0 / np.sqrt(2 * D))
    b = jnp.zeros((D,), dtype=jnp.float32)
    step = 7
    return {"current_state": current_state, "emb_table": emb_table, "W": W, "b": b, "step": step}

def reference(current_state, emb_table, W, b, step):
    pos = step % MAX_LEN
    mean_state = current_state.mean(axis=1)                      # [B, D]
    pos_emb = emb_table[pos]                                     # [D]  (gather)
    pos_emb_exp = jnp.broadcast_to(pos_emb[None, :], mean_state.shape)  # expand to [B, D]
    combined = jnp.concatenate([mean_state, pos_emb_exp], axis=-1)      # [B, 2D]
    update_gate = jax.nn.sigmoid(combined @ W.T + b)             # [B, D]
    memory_bank = jnp.zeros((current_state.shape[0], MAX_LEN, D), dtype=current_state.dtype)
    memory_bank = memory_bank.at[:, pos].set(update_gate * mean_state)  # scatter-overwrite
    return memory_bank

if __name__ == "__main__":
    import jax
    _d = setup_inputs()
    print(jax.jit(kernel)(*tuple(_d.values())))

</pallas_src>

<mosaic_0001>
#map = affine_map<(d0, d1) -> (0, 0)>
module attributes {stable_mosaic.version = 14 : i64} {
  func.func @_sc_zero(%arg0: i32, %arg1: i32, %arg2: memref<64x2048xf32, #tpu.memory_space<hbm>>, %arg3: memref<2048x2048xf32, #tpu.memory_space<hbm>>) attributes {dimension_semantics = [#tpu.dimension_semantics<core_parallel>, #tpu.dimension_semantics<subcore_parallel>], iteration_bounds = array<i64: 2, 16>, scalar_prefetch = 0 : i64, scratch_operands = 0 : i64, tpu.core_type = #tpu.core_type<sc_vector_subcore>, window_params = [{transform_indices = #map}, {transform_indices = #map}]} {
    %mul3A = arith.constant 2 : i32
    %mul3A_0 = arith.muli %arg1, %mul3A : i32
    %add3A = arith.addi %mul3A_0, %arg0 : i32
    %mul3A_1 = arith.constant 64 : i32
    %mul3A_2 = arith.muli %add3A, %mul3A_1 : i32
    "tpu.region"() ({
      %run_scoped3A = tpu.sem_alloc : memref<!tpu.dma_semaphore, #tpu.memory_space<semaphore_mem>>
      %dma_start3A = arith.constant 0 : i32
      %dma_start3A_3 = tpu.memref_slice %arg3[%mul3A_2, %dma_start3A] : memref<2048x2048xf32, #tpu.memory_space<hbm>> -> memref<64x2048xf32, #tpu.memory_space<hbm>>
      tpu.enqueue_dma source(%arg2 : memref<64x2048xf32, #tpu.memory_space<hbm>>) target(%dma_start3A_3 : memref<64x2048xf32, #tpu.memory_space<hbm>>) target_semaphore(%run_scoped3A : memref<!tpu.dma_semaphore, #tpu.memory_space<semaphore_mem>>)
      %dma_wait3A = arith.constant 0 : i32
      %dma_wait3A_4 = tpu.memref_slice %arg3[%mul3A_2, %dma_wait3A] : memref<2048x2048xf32, #tpu.memory_space<hbm>> -> memref<64x2048xf32, #tpu.memory_space<hbm>>
      tpu.wait_dma2 semaphore(%run_scoped3A : memref<!tpu.dma_semaphore, #tpu.memory_space<semaphore_mem>>) src(%arg2 : memref<64x2048xf32, #tpu.memory_space<hbm>>) dst(%dma_wait3A_4 : memref<64x2048xf32, #tpu.memory_space<hbm>>)
      tpu.yield
    }) : () -> ()
    return
  }
}

module attributes {stable_mosaic.version = 14 : i64} {
  func.func @_val_kernel(%arg0: i32, %arg1: memref<1xi32, #tpu.memory_space<smem>>, %arg2: memref<4x2048x256xf32, #tpu.memory_space<vmem>>, %arg3: memref<2048x256xf32, #tpu.memory_space<vmem>>, %arg4: memref<2048x256xf32, #tpu.memory_space<vmem>>, %arg5: memref<1x1x256xf32, #tpu.memory_space<vmem>>, %arg6: memref<2048xf32, #tpu.memory_space<vmem>>, %arg7: memref<4x2048xf32, #tpu.memory_space<vmem>>, %arg8: memref<4x2048xf32, #tpu.memory_space<vmem>>, %arg9: memref<4x2048xf32, #tpu.memory_space<vmem>>) attributes {dimension_semantics = [#tpu.dimension_semantics<arbitrary>], iteration_bounds = array<i64: 8>, scalar_prefetch = 1 : i64, scratch_operands = 2 : i64, tpu.core_type = #tpu.core_type<tc>, window_params = [{transform_indices = @transform_0, window_bounds = array<i64: 4, 2048, 256>}, {transform_indices = @transform_1, window_bounds = array<i64: 2048, 256>}, {transform_indices = @transform_2, window_bounds = array<i64: 2048, 256>}, {transform_indices = @transform_3, window_bounds = array<i64: 1, 1, 256>}, {pipeline_mode = #tpu.pipeline_mode<synchronous>, transform_indices = @transform_4, window_bounds = array<i64: 2048>}, {pipeline_mode = #tpu.pipeline_mode<synchronous>, transform_indices = @transform_5, window_bounds = array<i64: 4, 2048>}]} {
    %eq3A = arith.constant 0 : i32
    %eq3A_0 = arith.cmpi eq, %arg0, %eq3A : i32
    %convert_element_type3A = arith.extui %eq3A_0 : i1 to i32
    %cond3A = arith.constant 0 : i32
    %cond3A_1 = arith.cmpi ne, %convert_element_type3A, %cond3A : i32
    scf.if %cond3A_1 {
      %get3A_45 = arith.constant 0 : index
      %get3A_46 = vector.load %arg6[%get3A_45] : memref<2048xf32, #tpu.memory_space<vmem>>, vector<2048xf32>
      %broadcast_in_dim3A = vector.shape_cast %get3A_46 : vector<2048xf32> to vector<1x2048xf32>
      %broadcast_in_dim3A_47 = vector.shape_cast %broadcast_in_dim3A : vector<1x2048xf32> to vector<1x2048xf32>
      %broadcast_in_dim3A_48 = vector.broadcast %broadcast_in_dim3A_47 : vector<1x2048xf32> to vector<4x2048xf32>
      %swap3A_49 = arith.constant 0 : index
      %swap3A_50 = arith.constant 0 : index
      %swap3A_51 = vector.load %arg9[%swap3A_49, %swap3A_50] : memref<4x2048xf32, #tpu.memory_space<vmem>>, vector<4x2048xf32>
      tpu.vector_store %arg9[%swap3A_49, %swap3A_50], %broadcast_in_dim3A_48 {strides = array<i32>} : memref<4x2048xf32, #tpu.memory_space<vmem>>, vector<4x2048xf32>,
    } else {
    }
    %get3A = arith.constant 0 : index
    %get3A_2 = arith.constant 0 : index
    %get3A_3 = arith.constant 0 : index
    %get3A_4 = vector.load %arg2[%get3A, %get3A_2, %get3A_3] : memref<4x2048x256xf32, #tpu.memory_space<vmem>>, vector<4x2048x256xf32>
    %reduce_sum3A = arith.constant dense<0.000000e+00> : vector<4x256xf32>
    %reduce_sum3A_5 = vector.multi_reduction <add>, %get3A_4, %reduce_sum3A [1] : vector<4x2048x256xf32> to vector<4x256xf32>
    %mul3A = arith.constant 4.8828125E-4 : f32
    %mul3A_6 = vector.broadcast %mul3A : f32 to vector<4x256xf32>
    %mul3A_7 = arith.mulf %reduce_sum3A_5, %mul3A_6 : vector<4x256xf32>
    %mul3A_8 = arith.constant 256 : i32
    %mul3A_9 = arith.muli %arg0, %mul3A_8 : i32
    %swap3A = arith.constant 0 : index
    %swap3A_10 = arith.index_cast %mul3A_9 : i32 to index
    %swap3A_11 = vector.load %arg8[%swap3A, %swap3A_10] : memref<4x2048xf32, #tpu.memory_space<vmem>>, vector<4x256xf32>
    tpu.vector_store %arg8[%swap3A, %swap3A_10], %mul3A_7 {strides = array<i32>} : memref<4x2048xf32, #tpu.memory_space<vmem>>, vector<4x256xf32>,
    %get3A_12 = arith.constant 0 : index
    %get3A_13 = arith.constant 0 : index
    %get3A_14 = arith.constant 0 : index
    %get3A_15 = vector.load %arg5[%get3A_12, %get3A_13, %get3A_14] : memref<1x1x256xf32, #tpu.memory_space<vmem>>, vector<1x1x256xf32>
    %get3A_16 = vector.shape_cast %get3A_15 : vector<1x1x256xf32> to vector<1x256xf32>
    %get3A_17 = arith.constant 0 : index
    %get3A_18 = arith.constant 0 : index
    %get3A_19 = vector.load %arg9[%get3A_17, %get3A_18] : memref<4x2048xf32, #tpu.memory_space<vmem>>, vector<4x2048xf32>
    %get3A_20 = arith.constant 0 : index
    %get3A_21 = arith.constant 0 : index
    %get3A_22 = vector.load %arg3[%get3A_20, %get3A_21] : memref<2048x256xf32, #tpu.memory_space<vmem>>, vector<2048x256xf32>
    %dot_general3A = arith.constant dense<0.000000e+00> : vector<4x2048xf32>
    %dot_general3A_23 = tpu.matmul %mul3A_7, %get3A_22, %dot_general3A {dimension_numbers = #tpu.dot_dimension_numbers<[1], [1], [0], [0], [0, 0, 1, 0], [], []>, transpose_lhs_hint = false} : vector<4x256xf32>, vector<2048x256xf32>, vector<4x2048xf32> -> vector<4x2048xf32>
    %add3A = arith.addf %get3A_19, %dot_general3A_23 : vector<4x2048xf32>
    %swap3A_24 = arith.constant 0 : index
    %swap3A_25 = arith.constant 0 : index
    %swap3A_26 = vector.load %arg9[%swap3A_24, %swap3A_25] : memref<4x2048xf32, #tpu.memory_space<vmem>>, vector<4x2048xf32>
    tpu.vector_store %arg9[%swap3A_24, %swap3A_25], %add3A {strides = array<i32>} : memref<4x2048xf32, #tpu.memory_space<vmem>>, vector<4x2048xf32>,
    %get3A_27 = arith.constant 0 : index
    %get3A_28 = arith.constant 0 : index
    %get3A_29 = vector.load %arg9[%get3A_27, %get3A_28] : memref<4x2048xf32, #tpu.memory_space<vmem>>, vector<4x2048xf32>
    %get3A_30 = arith.constant 0 : index
    %get3A_31 = arith.constant 0 : index
    %get3A_32 = vector.load %arg4[%get3A_30, %get3A_31] : memref<2048x256xf32, #tpu.memory_space<vmem>>, vector<2048x256xf32>
    %dot_general3A_33 = arith.constant dense<0.000000e+00> : vector<1x2048xf32>
    %dot_general3A_34 = tpu.matmul %get3A_16, %get3A_32, %dot_general3A_33 {dimension_numbers = #tpu.dot_dimension_numbers<[1], [1], [0], [0], [0, 0, 1, 0], [], []>, transpose_lhs_hint = false} : vector<1x256xf32>, vector<2048x256xf32>, vector<1x2048xf32> -> vector<1x2048xf32>
    %add3A_35 = vector.broadcast %dot_general3A_34 : vector<1x2048xf32> to vector<4x2048xf32>
    %add3A_36 = arith.addf %get3A_29, %add3A_35 : vector<4x2048xf32>
    %swap3A_37 = arith.constant 0 : index
    %swap3A_38 = arith.constant 0 : index
    %swap3A_39 = vector.load %arg9[%swap3A_37, %swap3A_38] : memref<4x2048xf32, #tpu.memory_space<vmem>>, vector<4x2048xf32>
    tpu.vector_store %arg9[%swap3A_37, %swap3A_38], %add3A_36 {strides = array<i32>} : memref<4x2048xf32, #tpu.memory_space<vmem>>, vector<4x2048xf32>,
    %eq3A_40 = arith.constant 7 : i32
    %eq3A_41 = arith.cmpi eq, %arg0, %eq3A_40 : i32
    %convert_element_type3A_42 = arith.extui %eq3A_41 : i1 to i32
    %cond3A_43 = arith.constant 0 : i32
    %cond3A_44 = arith.cmpi ne, %convert_element_type3A_42, %cond3A_43 : i32
    scf.if %cond3A_44 {
      %get3A_45 = arith.constant 0 : index
      %get3A_46 = arith.constant 0 : index
      %get3A_47 = vector.load %arg9[%get3A_45, %get3A_46] : memref<4x2048xf32, #tpu.memory_space<vmem>>, vector<4x2048xf32>
      %logistic3A = arith.negf %get3A_47 : vector<4x2048xf32>
      %logistic3A_48 = math.exp %logistic3A : vector<4x2048xf32>
      %logistic3A_49 = arith.constant 1.000000e+00 : f32
      %logistic3A_50 = vector.broadcast %logistic3A_49 : f32 to vector<4x2048xf32>
      %logistic3A_51 = arith.addf %logistic3A_50, %logistic3A_48 : vector<4x2048xf32>
      %logistic3A_52 = arith.divf %logistic3A_50, %logistic3A_51 : vector<4x2048xf32>
      %get3A_53 = arith.constant 0 : index
      %get3A_54 = arith.constant 0 : index
      %get3A_55 = vector.load %arg8[%get3A_53, %get3A_54] : memref<4x2048xf32, #tpu.memory_space<vmem>>, vector<4x2048xf32>
      %mul3A_56 = arith.mulf %logistic3A_52, %get3A_55 : vector<4x2048xf32>
      %swap3A_57 = arith.constant 0 : index
      %swap3A_58 = arith.constant 0 : index
      %swap3A_59 = vector.load %arg7[%swap3A_57, %swap3A_58] : memref<4x2048xf32, #tpu.memory_space<vmem>>, vector<4x2048xf32>
      tpu.vector_store %arg7[%swap3A_57, %swap3A_58], %mul3A_56 {strides = array<i32>} : memref<4x2048xf32, #tpu.memory_space<vmem>>, vector<4x2048xf32>,
    } else {
    }
    return
  }
  func.func @transform_0(%arg0: i32, %arg1: memref<1xi32, #tpu.memory_space<smem>>) -> (i32, i32, i32) {
    %c0_i32 = arith.constant 0 : i32
    %c0_i32_0 = arith.constant 0 : i32
    %c0_i32_1 = arith.constant 0 : i32
    return %c0_i32, %c0_i32_0, %arg0 : i32, i32, i32
  }
  func.func @transform_1(%arg0: i32, %arg1: memref<1xi32, #tpu.memory_space<smem>>) -> (i32, i32) {
    %c0_i32 = arith.constant 0 : i32
    %c0_i32_0 = arith.constant 0 : i32
    return %c0_i32, %arg0 : i32, i32
  }
  func.func @transform_2(%arg0: i32, %arg1: memref<1xi32, #tpu.memory_space<smem>>) -> (i32, i32) {
    %add3A = arith.constant 8 : i32
    %add3A_0 = arith.addi %add3A, %arg0 : i32
    %c0_i32 = arith.constant 0 : i32
    %c0_i32_1 = arith.constant 0 : i32
    return %c0_i32, %add3A_0 : i32, i32
  }
  func.func @transform_3(%arg0: i32, %arg1: memref<1xi32, #tpu.memory_space<smem>>) -> (i32, i32, i32) {
    %get3A = arith.constant 0 : index
    %get3A_0 = memref.load %arg1[%get3A] : memref<1xi32, #tpu.memory_space<smem>>
    %c0_i32 = arith.constant 0 : i32
    %c0_i32_1 = arith.constant 0 : i32
    return %get3A_0, %c0_i32, %arg0 : i32, i32, i32
  }
  func.func @transform_4(%arg0: i32, %arg1: memref<1xi32, #tpu.memory_space<smem>>) -> i32 {
    %c0_i32 = arith.constant 0 : i32
    %c0_i32_0 = arith.constant 0 : i32
    return %c0_i32 : i32
  }
  func.func @transform_5(%arg0: i32, %arg1: memref<1xi32, #tpu.memory_space<smem>>) -> (i32, i32) {
    %c0_i32 = arith.constant 0 : i32
    %c0_i32_0 = arith.constant 0 : i32
    %c0_i32_1 = arith.constant 0 : i32
    return %c0_i32, %c0_i32_0 : i32, i32
  }
}

module attributes {stable_mosaic.version = 14 : i64} {
  func.func @_combine_kernel(%arg0: i32, %arg1: memref<1xi32, #tpu.memory_space<smem>>, %arg2: memref<4x512x2048xf32, #tpu.memory_space<any>>, %arg3: memref<4x2048xf32, #tpu.memory_space<vmem>>, %arg4: memref<4x64x2048xf32, #tpu.memory_space<vmem>>) attributes {dimension_semantics = [#tpu.dimension_semantics<arbitrary>], iteration_bounds = array<i64: 1>, scalar_prefetch = 1 : i64, scratch_operands = 0 : i64, tpu.core_type = #tpu.core_type<tc>, window_params = [{}, {pipeline_mode = #tpu.pipeline_mode<synchronous>, transform_indices = @transform_1, window_bounds = array<i64: 4, 2048>}, {transform_indices = @transform_2, window_bounds = array<i64: 4, 64, 2048>}]} {
    %get3A = arith.constant 0 : index
    %get3A_0 = memref.load %arg1[%get3A] : memref<1xi32, #tpu.memory_space<smem>>
    %broadcast_in_dim3A = arith.constant 0.000000e+00 : f32
    %broadcast_in_dim3A_1 = vector.broadcast %broadcast_in_dim3A : f32 to vector<4x64x2048xf32>
    %swap3A = arith.constant 0 : index
    %swap3A_2 = arith.constant 0 : index
    %swap3A_3 = arith.constant 0 : index
    %swap3A_4 = vector.load %arg4[%swap3A, %swap3A_2, %swap3A_3] : memref<4x64x2048xf32, #tpu.memory_space<vmem>>, vector<4x64x2048xf32>
    tpu.vector_store %arg4[%swap3A, %swap3A_2, %swap3A_3], %broadcast_in_dim3A_1 {strides = array<i32>} : memref<4x64x2048xf32, #tpu.memory_space<vmem>>, vector<4x64x2048xf32>,
    %get3A_5 = arith.constant 0 : index
    %get3A_6 = arith.constant 0 : index
    %get3A_7 = vector.load %arg3[%get3A_5, %get3A_6] : memref<4x2048xf32, #tpu.memory_space<vmem>>, vector<4x2048xf32>
    %broadcast_in_dim3A_8 = vector.shape_cast %get3A_7 : vector<4x2048xf32> to vector<4x1x2048xf32>
    %jit3A = arith.constant 64 : i32
    %eq3A = arith.constant 0 : i32
    %eq3A_9 = arith.cmpi eq, %jit3A, %eq3A : i32
    %jit3A_10 = arith.constant 1 : i32
    %select_n3A = arith.select %eq3A_9, %jit3A_10, %jit3A : i32
    %rem3A = arith.remsi %get3A_0, %select_n3A : i32
    %ne3A = arith.constant 0 : i32
    %ne3A_11 = arith.cmpi ne, %rem3A, %ne3A : i32
    %lt3A = arith.constant 0 : i32
    %lt3A_12 = arith.cmpi slt, %rem3A, %lt3A : i32
    %lt3A_13 = arith.constant 0 : i32
    %lt3A_14 = arith.cmpi slt, %select_n3A, %lt3A_13 : i32
    %ne3A_15 = arith.xori %lt3A_12, %lt3A_14 : i1
    %and3A = arith.andi %ne3A_15, %ne3A_11 : i1
    %add3A = arith.addi %rem3A, %select_n3A : i32
    %select_n3A_16 = arith.select %and3A, %add3A, %rem3A : i32
    %swap3A_17 = arith.constant 0 : index
    %swap3A_18 = arith.index_cast %select_n3A_16 : i32 to index
    %swap3A_19 = arith.constant 0 : index
    %swap3A_20 = vector.load %arg4[%swap3A_17, %swap3A_18, %swap3A_19] : memref<4x64x2048xf32, #tpu.memory_space<vmem>>, vector<4x1x2048xf32>
    tpu.vector_store %arg4[%swap3A_17, %swap3A_18, %swap3A_19], %broadcast_in_dim3A_8 {strides = array<i32>} : memref<4x64x2048xf32, #tpu.memory_space<vmem>>, vector<4x1x2048xf32>,
    return
  }
  func.func @transform_1(%arg0: i32, %arg1: memref<1xi32, #tpu.memory_space<smem>>) -> (i32, i32) {
    %c0_i32 = arith.constant 0 : i32
    %c0_i32_0 = arith.constant 0 : i32
    %c0_i32_1 = arith.constant 0 : i32
    return %c0_i32, %c0_i32_0 : i32, i32
  }
  func.func @transform_2(%arg0: i32, %arg1: memref<1xi32, #tpu.memory_space<smem>>) -> (i32, i32, i32) {
    %get3A = arith.constant 0 : index
    %get3A_0 = memref.load %arg1[%get3A] : memref<1xi32, #tpu.memory_space<smem>>
    %jit3A = arith.constant 64 : i32
    %div3A = arith.divsi %get3A_0, %jit3A : i32
    %sign3A = arith.constant 0 : i32
    %sign3A_1 = arith.cmpi sgt, %get3A_0, %sign3A : i32
    %sign3A_2 = arith.extui %sign3A_1 : i1 to i32
    %sign3A_3 = arith.constant 0 : i32
    %sign3A_4 = arith.cmpi slt, %get3A_0, %sign3A_3 : i32
    %sign3A_5 = arith.extui %sign3A_4 : i1 to i32
    %sign3A_6 = arith.subi %sign3A_2, %sign3A_5 : i32
    %sign3A_7 = arith.constant 0 : i32
    %sign3A_8 = arith.cmpi sgt, %jit3A, %sign3A_7 : i32
    %sign3A_9 = arith.extui %sign3A_8 : i1 to i32
    %sign3A_10 = arith.constant 0 : i32
    %sign3A_11 = arith.cmpi slt, %jit3A, %sign3A_10 : i32
    %sign3A_12 = arith.extui %sign3A_11 : i1 to i32
    %sign3A_13 = arith.subi %sign3A_9, %sign3A_12 : i32
    %ne3A = arith.cmpi ne, %sign3A_6, %sign3A_13 : i32
    %rem3A = arith.remsi %get3A_0, %jit3A : i32
    %ne3A_14 = arith.constant 0 : i32
    %ne3A_15 = arith.cmpi ne, %rem3A, %ne3A_14 : i32
    %and3A = arith.andi %ne3A, %ne3A_15 : i1
    %sub3A = arith.constant 1 : i32
    %sub3A_16 = arith.subi %div3A, %sub3A : i32
    %select_n3A = arith.select %and3A, %sub3A_16, %div3A : i32
    %c0_i32 = arith.constant 0 : i32
    %c0_i32_17 = arith.constant 0 : i32
    %c0_i32_18 = arith.constant 0 : i32
    return %c0_i32, %select_n3A, %c0_i32_17 : i32, i32, i32
  }
}

</mosaic_0001>

<sc_bundles>
// kernel: _run.5.cloned.1.call-start
scs
__scs_entry_jumppad:
0x0: {  	(pc) =	sbr.rel $0x88, $3  }
0x1: {  	(tag) =	ssettag $0x0;
	lr =	simm.s32 $0x1  }
0x2: {  	[smem:$0x3F9C] =	sst lr;
	_ =	strace $0xD0000000  }
0x3: {  	_ = 	snop  }
0x4: {  	_ = 	snop  }
0x5: {  	_ = 	snop  }
0x6: {  	_ = 	snop  }
0x7: {  	_ = 	snop  }
__scs_overlays_trampoline_lowered:
0x8: {  	[smem:$0x3FAB] =	sst s0  }
0x9: {  	[smem:$0x3FAC] =	sst s1  }
0xa: {  	[smem:$0x3FAD] =	sst s2  }
0xb: {  	[smem:$0x3FAE] =	sst s3  }
0xc: {  	[smem:$0x3FAF] =	sst s4  }
0xd: {  	[smem:$0x3FB0] =	sst s5  }
0xe: {  	[smem:$0x3FB1] =	sst s6  }
0xf: {  	[smem:$0x3FB2] =	sst s7  }
0x10: {  	[smem:$0x3FB3] =	sst s8  }
0x11: {  	[smem:$0x3FB4] =	sst s9;
	s0 =	simm.s32 @!p0 $0x0  }
0x12: {  	s1 =	sld [smem:$0x3F9A];
	s0 =	simm.s32 @p0 $0x1  }
0x13: {  	[smem:$0x3FB5] =	sst s0;
	s0 =	simm.s32 @!p1 $0x0  }
0x14: {  	s2 =	sld [smem:$0x3F99];
	s0 =	simm.s32 @p1 $0x1  }
0x15: {  	[smem:$0x3FB6] =	sst s0;
	s0 =	simm.s32 @!p2 $0x0  }
0x16: {  	s3 =	sld [smem:$0x3FDB];
	s0 =	simm.s32 @p2 $0x1  }
0x17: {  	s4 =	simm.s32 $0x1BF5;
	[smem:$0x3FB8] =	sst s0  }
0x18: {  	s0 =	sld [smem:$0x3F9B];
	_ =	swait.ge [sflag:s4], $0x0  }
0x19: {  	s7 =	sld [smem:$0x3F9C]  }
0x1a: {  	s8 =	sadd.s32 $0xFFFFE003, lr  }
0x1b: {  	s9 =	sadd.s32 $0xFFFFFEF7, lr;
	s5 =	simm.s32 $0xFFFFFFFF;
	p2 =	slt.u32 s8, $0xFFFFF086  }
0x1c: {  	p1 =	slt.u32 s9, $0xF7A;
	s5 =	simm.s32 @!p2 $0x0  }
0x1d: {  	s5 =	simm.s32 @p1 $0x1;
	p0 =	seq.s32 s7, s2  }
0x1e: {  	s7 =	smul.u32 @!p0 $0xF7A, s2;
	p2 =	seq.s32 @!p0 s5, $0x0  }
0x1f: {  	s9 =	smul.u32 $0xF7A, s1;
	s8 =	simm.s32 @!p0 $0x1BF5;
	p2 =	por !p2, p0  }
0x20: {  	[sflag:s8] =	ssyncset.s32 @!p0 $0xFFFFF086;
	s6 =	sadd.s32 @!p0 s3, s7;
	s7 =	simm.s32 @!p0 $0x108  }
0x21: {  	s3 =	sadd.s32 s3, s9;
	s6 =	sadd.s32 @!p0 $0x88, s6;
	s7 =	simm.s32 @p2 $0x1082  }
0x22: {  	[simem:s7], [sflag:s8] =	dma.local @!p0 [hbm:s6], $0xF7A  }
0x23: {  	s9 =	sor.u32 $0xD0000000, s2;
	s6 =	simm.s32 $0x108;
	_ =	swait.ge @!p0 [sflag:s8], $0x0  }
0x24: {  	s3 =	sadd.s32 $0x88, s3;
	s6 =	simm.s32 @!p1 $0x1082;
	[sflag:s4] =	ssyncset.s32 $0xFFFFF086  }
0x25: {  	[simem:s6], [sflag:s4] =	dma.local [hbm:s3], $0xF7A  }
0x26: {  	[smem:$0x3F9C] =	sst s1;
	(tag) =	ssettag s2;
	_ =	strace s9  }
0x27: {  	s1 =	sld [smem:$0x3FAC]  }
0x28: {  	s2 =	sld [smem:$0x3FAD]  }
0x29: {  	s4 =	sld [smem:$0x3FAF]  }
0x2a: {  	p0 =	seq.s32 s5, $0x0;
	s5 =	sld [smem:$0x3FB0]  }
0x2b: {  	s6 =	sld [smem:$0x3FB1]  }
0x2c: {  	s7 =	sld [smem:$0x3FB2]  }
0x2d: {  	s3 =	simm.s32 $0x108;
	s8 =	sld [smem:$0x3FB3]  }
0x2e: {  	s3 =	simm.s32 @!p0 $0x1082;
	s9 =	sld [smem:$0x3FB4]  }
0x2f: {  	lr =	sadd.s32 s0, s3;
	s0 =	sld [smem:$0x3FAB]  }
0x30: {  	s3 =	sld [smem:$0x3FAE]  }
0x31: {  	[smem:$0x3FB7] =	sst s10  }
0x32: {  	s10 =	sld [smem:$0x3FB5];
	_ =	sdelay $0x3  }
0x33: {  	p0 =	seq.s32 s10, $0x1;
	s10 =	sld [smem:$0x3FB7];
	_ =	sdelay $0x3  }
0x34: {  	[smem:$0x3FB7] =	sst s10  }
0x35: {  	s10 =	sld [smem:$0x3FB6];
	_ =	sdelay $0x3  }
0x36: {  	p1 =	seq.s32 s10, $0x1;
	s10 =	sld [smem:$0x3FB7];
	_ =	sdelay $0x3  }
0x37: {  	[smem:$0x3FB7] =	sst s10  }
0x38: {  	s10 =	sld [smem:$0x3FB8]  }
0x39: {  	_ = 	snop;
	(pc) =	sbr.ind lr, $3  }
0x3a: {  	_ = 	snop  }
0x3b: {  	_ = 	snop  }
0x3c: {  	p2 =	seq.s32 s10, $0x1;
	s10 =	sld [smem:$0x3FB7]  }
0x3d: {  	_ =	shalt  }
0x3e: {  	_ =	shalt  }
0x3f: {  	_ =	shalt  }
0x40: {  	_ =	shalt  }
0x41: {  	_ =	shalt  }
0x42: {  	_ =	shalt  }
0x43: {  	_ =	shalt  }
0x44: {  	_ =	shalt  }
0x45: {  	_ =	shalt  }
0x46: {  	_ =	shalt  }
0x47: {  	_ =	shalt  }
0x48: {  	_ =	shalt  }
0x49: {  	_ =	shalt  }
0x4a: {  	_ =	shalt  }
0x4b: {  	_ =	shalt  }
0x4c: {  	_ =	shalt  }
0x4d: {  	_ =	shalt  }
0x4e: {  	_ =	shalt  }
0x4f: {  	_ =	shalt  }
0x50: {  	_ =	shalt  }
0x51: {  	_ =	shalt  }
0x52: {  	_ =	shalt  }
0x53: {  	_ =	shalt  }
0x54: {  	_ =	shalt  }
0x55: {  	_ =	shalt  }
0x56: {  	_ =	shalt  }
0x57: {  	_ =	shalt  }
0x58: {  	_ =	shalt  }
0x59: {  	_ =	shalt  }
0x5a: {  	_ =	shalt  }
0x5b: {  	_ =	shalt  }
0x5c: {  	_ =	shalt  }
0x5d: {  	_ =	shalt  }
0x5e: {  	_ =	shalt  }
0x5f: {  	_ =	shalt  }
0x60: {  	_ =	shalt  }
0x61: {  	_ =	shalt  }
0x62: {  	_ =	shalt  }
0x63: {  	_ =	shalt  }
0x64: {  	_ =	shalt  }
0x65: {  	_ =	shalt  }
0x66: {  	_ =	shalt  }
0x67: {  	_ =	shalt  }
0x68: {  	_ =	shalt  }
0x69: {  	_ =	shalt  }
0x6a: {  	_ =	shalt  }
0x6b: {  	_ =	shalt  }
0x6c: {  	_ =	shalt  }
0x6d: {  	_ =	shalt  }
0x6e: {  	_ =	shalt  }
0x6f: {  	_ =	shalt  }
0x70: {  	_ =	shalt  }
0x71: {  	_ =	shalt  }
0x72: {  	_ =	shalt  }
0x73: {  	_ =	shalt  }
0x74: {  	_ =	shalt  }
0x75: {  	_ =	shalt  }
0x76: {  	_ =	shalt  }
0x77: {  	_ =	shalt  }
0x78: {  	_ =	shalt  }
0x79: {  	_ =	shalt  }
0x7a: {  	_ =	shalt  }
0x7b: {  	_ =	shalt  }
0x7c: {  	_ =	shalt  }
0x7d: {  	_ =	shalt  }
0x7e: {  	_ =	shalt  }
0x7f: {  	_ =	shalt  }
0x80: {  	_ =	shalt  }
0x81: {  	_ =	shalt  }
0x82: {  	_ =	shalt  }
0x83: {  	_ =	shalt  }
0x84: {  	_ =	shalt  }
0x85: {  	_ =	shalt  }
0x86: {  	_ =	shalt  }
0x87: {  	_ =	shalt  }
.Lfunc_end0:
.L_simem_size_0:
called_computation_lowered:
.L_overlay_start_0:
0x88: {  	s2 =	sld [smem:$0x3FD9]  }
0x89: {  	s3 =	sld [smem:$0x3FFE];
	_ =	sdelay $0x1  }
0x8a: {  	s1 =	srdreg.scid  }
0x8b: {  	s0 =	sand.u32 $0x1, s1  }
0x8c: {  	s17 =	sshll.u32 s0, $0xA;
	s2 =	sadd.s32 s3, s2  }
0x8d: {  	s2 =	sadd.s32 s2, s17  }
0x8e: {  	[smem:$0x3FC3] =	sst s2  }
0x8f: {  	_ = 	snop  }
0x90: {  	s2 =	sld [smem:$0x3FD0];
	(tm) =	ssettm $0x1  }
0x91: {  	s18 =	sld [smem:$0x3FFB];
	_ =	sdelay $0x3  }
0x92: {  	_ =	strace s18  }
0x93: {  	s3 =	sld [smem:$0x3FFC];
	_ =	sdelay $0x3  }
0x94: {  	_ =	strace s3  }
0x95: {  	s3 =	sld [smem:$0x3FFD];
	_ =	sdelay $0x3  }
0x96: {  	_ =	strace s3  }
0x97: {  	_ =	strace $0x8FFFFFFF  }
0x98: {  	s19 =	sld [smem:$0x3FDB];
	_ =	sdelay $0x1  }
0x99: {  	s4 =	simm.s32 $_scs_section_size  }
0x9a: {  	s5 =	simm.s32 $_size__tile_overlayer_lowered;
	s6 =	simm.s32 $_tile_overlayer_lowered  }
0x9b: {  	s22 =	simm.s32 $0x1BFF;
	s21 =	sshll.u32 s6, $0x1;
	s3 =	sadd.s32 s4, s19  }
0x9c: {  	s7 =	simm.s32 $0x0;
	s20 =	sshll.u32 s5, $0x1;
	s5 =	sadd.s32 s21, s3  }
0x9d: {  	[timem:s7], [sflag:s22] =	dma.local [hbm:s5], s20  }
0x9e: {  	_ =	swait.ge [sflag:s22], s20  }
0x9f: {  	s4 =	ssub.s32 $0x0, s20;
	[sflag:s22] =	ssyncset.done $0x0  }
0xa0: {  	[sflag:s22] =	ssyncadd.s32 s4;
	_ =	sdelay $0x1  }
0xa1: {  	s23 =	simm.s32 $0x1B8B  }
0xa2: {  	_ =	swait.ge [sflag:s23], $0x1  }
0xa3: {  	[sflag:s23] =	ssyncset.done $0x0  }
0xa4: {  	s25 =	simm.s32 $0x1B8E;
	s24 =	sld [smem:$0x3FFE];
	[sflag:s23] =	ssyncadd.s32 $0xFFFFFFFF  }
0xa5: {  	s26 =	simm.s32 $execute0_lowered;
	[smem:$0x3FD2] =	sst s25  }
0xa6: {  	s5 =	sshll.u32 s26, $0x1;
	_ =	strace $0x80000046;
	[dreg:$0x1] =	wrdreg $0xFFFFFFFF  }
0xa7: {  	s28 =	simm.s32 $_size_execute0_lowered;
	s3 =	sadd.s32 s3, s5;
	[dreg:$0x0] =	wrdreg $0x0  }
0xa8: {  	s5 =	sshll.u32 s28, $0x1;
	[dreg:$0x2] =	wrdreg s3  }
0xa9: {  	[dreg:$0x3] =	wrdreg s5  }
0xaa: {  	[dreg:$0x4] =	wrdreg $0xC0  }
0xab: {  	_ =	task [dreg:s7], $0x5FFFF  }
0xac: {  	[dreg:$0x1] =	wrdreg $0xFFFFFFFF  }
0xad: {  	[dreg:$0x0] =	wrdreg $0x60  }
0xae: {  	[dreg:$0x2] =	wrdreg s24  }
0xaf: {  	[dreg:$0x3] =	wrdreg s2  }
0xb0: {  	[dreg:$0x4] =	wrdreg $0x9  }
0xb1: {  	_ =	task.clear_ibuf [dreg:s7], $0x5FFFF;
	_ =	strace $0x90000046  }
0xb2: {  	s29 =	simm.s32 $0x9;
	_ =	strace $0x80000048  }
0xb3: {  	_ =	swait.ge [sflag:s29], $0x1  }
0xb4: {  	[sflag:s29] =	ssyncadd.s32 $0xFFFFFFFF  }
0xb5: {  	_ =	strace $0x90000048  }
0xb6: {  	_ =	sfence  }
0xb7: {  	s30 =	sld [smem:$0x0];
	_ =	sdelay $0x2  }
0xb8: {  	s31 =	sshll.u32 s1, $0xD;
	s1 =	sshrl.u32 s1, $0x2  }
0xb9: {  	s3 =	sand.u32 $0x4000, s31;
	s1 =	sadd.s32 s1, s30  }
0xba: {  	s0 =	sor.u32 s3, s0;
	s1 =	sshll.u32 s1, $0x11  }
0xbb: {  	s0 =	sor.u32 s1, s0  }
0xbc: {  	s0 =	sadd.s32 $0x8F2B, s0  }
0xbd: {  	[sflag:s0] =	ssyncadd.remote.s32 $0x1  }
0xbe: {  	_ =	sfence.sel $0xFFFF  }
0xbf: {  	[dreg:$0x0] =	wrdreg $0xFFFFFFFF;
	(pc) =	sbr.abs _section_cstart, $3  }
0xc0: {  	[dreg:$0x1] =	wrdreg $0xFFFFFFFF  }
0xc1: {  	_ =	task.clear_ibuf [dreg:s7], $0x2FFFF;
	_ =	strace $0x9FFFFFFF  }
0xc2: {  	(tm) =	ssettm $0x7FFFFFFF  }
0xc3: {  	_ =	shalt  }
tec
execute0_lowered:
.L_overlay_start_1:
0x0: {  	(tag) =	ssettag $0x1  }
0x1: {  	s4 =	srdreg.scid  }
0x2: {  	s1 =	rddreg [dreg:$0x0];
	s4 =	sand.u32 $0x1, s4  }
0x3: {  	s3 =	rddreg [dreg:$0x1];
	s5 =	ssub.s32 $0x2, s4  }
0x4: {  	s0 =	rddreg [dreg:$0x2];
	s2 =	simm.s32 $0x0;
	s6 =	sshrl.u32 s5, $0x1  }
0x5: {  	[smem:$0x7FF] =	sst s2;
	s2 =	sadd.s32 $0x800, s1;
	s5 =	ssub.s32 s5, s6  }
0x6: {  	s1 =	stileid.u32;
	_ =	strace $0x80000047;
	s6 =	smax.u32 s5, $0x1  }
0x7: {  	s4 =	sshll.u32 s4, $0xE;
	s30 =	sshll.u32 s1, $0xF;
	p0 =	sne.s32 s6, $0x1  }
.Ltmp0:
0x8: {  	s31 =	sshll.u32 s1, $0x6;
	s3 =	sadd.s32 s3, s4;
	(pc) =	sbr.rel @!p0 .LBB2_2-.Ltmp0, $4  }
0x9: {  	s4 =	sor.u32 $0x1C01, s31;
	s3 =	sadd.s32 s30, s3;
	s5 =	simm.s32 $0x1  }
0xa: {  	[hbm:s3], [sflag:s4] =	dma.local [hbm:s2], $0x4000  }
0xb: {  	_ =	swait.ge [sflag:s5], $0x4000  }
0xc: {  	s6 =	sadd.s32 $0xFFFFFFFF, s6;
	[sflag:s5] =	ssyncset.done $0x0  }
.LBB2_1:
0xd: {  	p0 =	sne.s32 s6, $0x1;
	s6 =	sadd.s32 $0xFFFFFFFF, s6;
	[sflag:s5] =	ssyncadd.s32 $0xFFFFC000  }
.Ltmp1:
0xe: {  	(pc) =	sbr.rel @p0 .LBB2_1-.Ltmp1, $4  }
0xf: {  	_ = 	snop  }
0x10: {  	[hbm:s3], [sflag:s4] =	dma.local [hbm:s2], $0x4000  }
0x11: {  	_ =	swait.ge [sflag:s5], $0x4000  }
0x12: {  	[sflag:s5] =	ssyncset.done $0x0  }
.LBB2_2:
0x13: {  	[sflag:s5] =	ssyncadd.s32 $0xFFFFC000  }
0x14: {  	_ =	sfence.sel $0x180000  }
0x15: {  	[bflag:$0x0] =	sbarrier.arrive $0xFFFF  }
0x16: {  	p0 =	sne.s32 s1, $0x0;
	_ =	strace $0x90000047  }
0x17: {  	s0 =	sadd.s32 @!p0 $0x100000, s0;
	[bflag:$0x2] =	sbarrier.arrive $0xFFFF  }
0x18: {  	[sflag:s0] =	ssyncadd.tile.s32 @!p0 $0x1;
	_ =	shalt  }
.Lfunc_end2:
_tile_overlayer_lowered:
.L_overlay_start_2:
0x19: {  	(tag) =	ssettag $0x2  }
0x1a: {  	s0 =	rddreg [dreg:$0x0];
	s2 =	stileid.u32  }
0x1b: {  	s1 =	rddreg [dreg:$0x1];
	p0 =	sne.s32 s2, $0x0  }
0x1c: {  	s3 =	rddreg [dreg:$0x2];
	[bflag:$0x3] =	sbarrier.arrive $0xFFFF;
	s2 =	simm.s32 @!p0 $0x1C01  }
0x1d: {  	[timem:s3], [sflag:s2] =	dma.local @!p0 [hbm:s0], s1  }
0x1e: {  	s0 =	simm.s32 @!p0 $0x1  }
0x1f: {  	_ =	swait.ge @!p0 [sflag:s0], s1  }
0x20: {  	s1 =	ssub.s32 @!p0 $0x0, s1;
	[sflag:s0] =	ssyncset.done @!p0 $0x0  }
0x21: {  	[sflag:s0] =	ssyncadd.s32 @!p0 s1  }
0x22: {  	[bflag:$0x3] =	sbarrier.arrive $0xFFFF  }
0x23: {  	_ =	shalt  }

</sc_bundles>
